<compile_context>
chip_gen: v7x
topology: tpu7x:2x2x1
jax: 0.10.2.dev20260603
libtpu: 0.0.44.dev20260713+nightly
codegen_flags: <defaults>
</compile_context>

<pallas_src>
import functools

import jax
import jax.numpy as jnp
from jax import lax
from jax.experimental import pallas as pl
from jax.experimental.pallas import tpu as pltpu
from jax.experimental.pallas import tpu_sc as plsc

_L = 16


def kernel(x, f_sonn, x0, dx):
    nt, n1, n2 = f_sonn.shape

    mesh = plsc.VectorSubcoreMesh(
        core_axis_name="c", subcore_axis_name="s",
        num_cores=1, num_subcores=1)

    dnums = lax.GatherDimensionNumbers(
        offset_dims=(), collapsed_slice_dims=(0,), start_index_map=(0,))

    @functools.partial(
        pl.kernel,
        mesh=mesh,
        out_type=jax.ShapeDtypeStruct((_L,), jnp.float32),
        scratch_types=[
            pltpu.VMEM((_L,), jnp.float32),
            pltpu.VMEM((8, 128), jnp.float32),
            pltpu.VMEM((_L,), jnp.float32),
        ],
    )
    def _lookup(xin_hbm, tab_hbm, out_hbm, xs, tilev, valv):
        pltpu.sync_copy(xin_hbm, xs.at[pl.ds(0, 9)])
        vin = xs[...]
        lanes = lax.iota(jnp.int32, _L)

        def shift(vec, off):
            idx = jnp.bitwise_and(lanes + off, _L - 1)
            return lax.gather(vec, idx[:, None], dnums, (1,),
                              mode=lax.GatherScatterMode.PROMISE_IN_BOUNDS)

        qv = (vin - shift(vin, 3)) / shift(vin, 6)
        rv = qv.astype(jnp.int32)
        icv = jnp.where(rv.astype(jnp.float32) > qv, rv - 1, rv)
        dimv = jnp.where(lanes == 0, nt - 1,
                         jnp.where(lanes == 1, n1 - 1, n2 - 1))
        icv = jnp.minimum(jnp.maximum(icv, 0), dimv)
        i0 = icv[0]
        i1 = icv[1]
        i2 = icv[2]
        sub = jnp.bitwise_and(i1, 7)
        lane = jnp.bitwise_and(i2, 127)
        row0 = pl.multiple_of(i1 - sub, 8)
        col0 = pl.multiple_of(i2 - lane, 128)
        pltpu.sync_copy(
            tab_hbm.at[i0, pl.ds(row0, 8), pl.ds(col0, 128)],
            tilev)
        lane16 = jnp.bitwise_and(lane, 127 - 15)
        rem = lane - lane16
        v = tilev[sub, pl.ds(lane16, _L)]
        valv[...] = lax.gather(
            v, jnp.full((_L,), rem, jnp.int32)[:, None], dnums,
            (1,), mode=lax.GatherScatterMode.PROMISE_IN_BOUNDS)
        pltpu.sync_copy(valv, out_hbm)

    res = _lookup(jnp.concatenate([x, x0, dx]), f_sonn)
    return res[0]

# --- scband reference (transcript-rebuilt; emitter-appended) ---
"""Pipeline reference for scband-pdenet-50525995270705 (READ-ONLY COPY).

The authoritative reference and input builder live on the scoring server;
editing this copy changes nothing except your own understanding.
"""

import jax, jax.numpy as jnp
import numpy as np

NT = 64
N = 1024

def setup_inputs(seed: int = 0) -> dict:
    key = jax.random.key(seed)
    k1, k2 = jax.random.split(key)
    # Learned/loaded table f_sonn[nt, N, N] (in the original module this is loaded from
    # Sonnendrucker solver text files; here it is materialized as a dense random table).
    f_sonn = jax.random.normal(k1, (NT, N, N), dtype=jnp.float32)
    # Query coordinate (t, x, v). Original example: torch.tensor([5*1.39, 8*1.39]) but the
    # simplified forward path indexes ic[0], ic[1], ic[2], i.e. requires a 3-vector.
    x = jax.random.uniform(k2, (3,), dtype=jnp.float32)
    # Grid origin and spacing self.x0, self.dx = [dt, dx, dv].
    x0 = jnp.zeros((3,), dtype=jnp.float32)
    dx = jnp.array([1.0 / NT, 1.0 / N, 1.0 / N], dtype=jnp.float32)
    return {"x": x, "f_sonn": f_sonn, "x0": x0, "dx": dx}

def reference(x, f_sonn, x0, dx):
    # simplified branch of PDEnet.forward:
    #   ic = floor((x - x0) / dx).int(); y = f_sonn[ic[0]][ic[1]][ic[2]]
    ic = jnp.floor((x - x0) / dx).astype(jnp.int32)
    dims = jnp.array(f_sonn.shape, dtype=jnp.int32)
    ic = jnp.clip(ic, 0, dims - 1)  # keep lookup in-range for random inputs
    y = f_sonn[ic[0], ic[1], ic[2]]
    return y

if __name__ == "__main__":
    import jax
    _d = setup_inputs()
    print(jax.jit(kernel)(*tuple(_d.values())))

</pallas_src>

<mosaic_0001>
#map = affine_map<(d0, d1) -> (0)>
#map1 = affine_map<(d0, d1) -> (0, 0, 0)>
module attributes {stable_mosaic.version = 14 : i64} {
  func.func @_lookup(%arg0: i32, %arg1: i32, %arg2: memref<9xf32, #tpu.memory_space<hbm>>, %arg3: memref<64x1024x1024xf32, #tpu.memory_space<hbm>>, %arg4: memref<16xf32, #tpu.memory_space<hbm>>, %arg5: memref<16xf32, #tpu.memory_space<vmem>>, %arg6: memref<8x128xf32, #tpu.memory_space<vmem>>, %arg7: memref<16xf32, #tpu.memory_space<vmem>>) attributes {dimension_semantics = [#tpu.dimension_semantics<core_parallel>, #tpu.dimension_semantics<subcore_parallel>], iteration_bounds = array<i64: 1, 1>, scalar_prefetch = 0 : i64, scratch_operands = 3 : i64, tpu.core_type = #tpu.core_type<sc_vector_subcore>, window_params = [{transform_indices = #map}, {transform_indices = #map1}, {transform_indices = #map}]} {
    "tpu.region"() ({
      %run_scoped3A = tpu.sem_alloc : memref<!tpu.dma_semaphore, #tpu.memory_space<semaphore_mem>>
      %dma_start3A = arith.constant 0 : i32
      %dma_start3A_59 = tpu.memref_slice %arg5[%dma_start3A] : memref<16xf32, #tpu.memory_space<vmem>> -> memref<9xf32, #tpu.memory_space<vmem>>
      %dma_start3A_60 = arith.constant 0 : i32
      %dma_start3A_61 = tpu.memref_slice %arg5[%dma_start3A_60] : memref<16xf32, #tpu.memory_space<vmem>> -> memref<9xf32, #tpu.memory_space<vmem>>
      tpu.enqueue_dma source(%arg2 : memref<9xf32, #tpu.memory_space<hbm>>) target(%dma_start3A_61 : memref<9xf32, #tpu.memory_space<vmem>>) target_semaphore(%run_scoped3A : memref<!tpu.dma_semaphore, #tpu.memory_space<semaphore_mem>>)
      %dma_wait3A = arith.constant 0 : i32
      %dma_wait3A_62 = tpu.memref_slice %arg5[%dma_wait3A] : memref<16xf32, #tpu.memory_space<vmem>> -> memref<9xf32, #tpu.memory_space<vmem>>
      %dma_wait3A_63 = arith.constant 0 : i32
      %dma_wait3A_64 = tpu.memref_slice %arg5[%dma_wait3A_63] : memref<16xf32, #tpu.memory_space<vmem>> -> memref<9xf32, #tpu.memory_space<vmem>>
      tpu.wait_dma2 semaphore(%run_scoped3A : memref<!tpu.dma_semaphore, #tpu.memory_space<semaphore_mem>>) src(%arg2 : memref<9xf32, #tpu.memory_space<hbm>>) dst(%dma_wait3A_64 : memref<9xf32, #tpu.memory_space<vmem>>)
      tpu.yield
    }) : () -> ()
    %get3A = arith.constant 0 : index
    %get3A_0 = tpu.vector_load %arg5[%get3A] {strides = array<i32>} : memref<16xf32, #tpu.memory_space<vmem>>, vector<16xf32>,
    %get3A_1 = vector.shape_cast %get3A_0 : vector<16xf32> to vector<16xf32>
    %iota3A = tpu.iota {dimensions = array<i32: 0>} : vector<16xi32>
    %add3A = arith.constant 3 : i32
    %add3A_2 = vector.broadcast %add3A : i32 to vector<16xi32>
    %add3A_3 = arith.addi %iota3A, %add3A_2 : vector<16xi32>
    %and3A = arith.constant 15 : i32
    %and3A_4 = vector.broadcast %and3A : i32 to vector<16xi32>
    %and3A_5 = arith.andi %add3A_3, %and3A_4 : vector<16xi32>
    %broadcast_in_dim3A = vector.shape_cast %and3A_5 : vector<16xi32> to vector<16x1xi32>
    %gather3A = vector.shape_cast %broadcast_in_dim3A : vector<16x1xi32> to vector<16xi32>
    %gather3A_6 = tpu.dynamic_gather %get3A_1[%gather3A] in [0] : vector<16xf32>, vector<16xi32> -> vector<16xf32>
    %sub3A = arith.subf %get3A_1, %gather3A_6 : vector<16xf32>
    %add3A_7 = arith.constant 6 : i32
    %add3A_8 = vector.broadcast %add3A_7 : i32 to vector<16xi32>
    %add3A_9 = arith.addi %iota3A, %add3A_8 : vector<16xi32>
    %and3A_10 = arith.constant 15 : i32
    %and3A_11 = vector.broadcast %and3A_10 : i32 to vector<16xi32>
    %and3A_12 = arith.andi %add3A_9, %and3A_11 : vector<16xi32>
    %broadcast_in_dim3A_13 = vector.shape_cast %and3A_12 : vector<16xi32> to vector<16x1xi32>
    %gather3A_14 = vector.shape_cast %broadcast_in_dim3A_13 : vector<16x1xi32> to vector<16xi32>
    %gather3A_15 = tpu.dynamic_gather %get3A_1[%gather3A_14] in [0] : vector<16xf32>, vector<16xi32> -> vector<16xf32>
    %div3A = arith.divf %sub3A, %gather3A_15 : vector<16xf32>
    %convert_element_type3A = arith.fptosi %div3A : vector<16xf32> to vector<16xi32>
    %convert_element_type3A_16 = arith.sitofp %convert_element_type3A : vector<16xi32> to vector<16xf32>
    %gt3A = arith.cmpf ogt, %convert_element_type3A_16, %div3A : vector<16xf32>
    %sub3A_17 = arith.constant 1 : i32
    %sub3A_18 = vector.broadcast %sub3A_17 : i32 to vector<16xi32>
    %sub3A_19 = arith.subi %convert_element_type3A, %sub3A_18 : vector<16xi32>
    %select_n3A = arith.select %gt3A, %sub3A_19, %convert_element_type3A : vector<16xi1>, vector<16xi32>
    %eq3A = arith.constant 0 : i32
    %eq3A_20 = vector.broadcast %eq3A : i32 to vector<16xi32>
    %eq3A_21 = arith.cmpi eq, %iota3A, %eq3A_20 : vector<16xi32>
    %eq3A_22 = arith.constant 1 : i32
    %eq3A_23 = vector.broadcast %eq3A_22 : i32 to vector<16xi32>
    %eq3A_24 = arith.cmpi eq, %iota3A, %eq3A_23 : vector<16xi32>
    %jit3A = arith.constant 1023 : i32
    %jit3A_25 = arith.constant 1023 : i32
    %broadcast_in_dim3A_26 = vector.broadcast %jit3A : i32 to vector<16xi32>
    %broadcast_in_dim3A_27 = vector.broadcast %jit3A_25 : i32 to vector<16xi32>
    %select_n3A_28 = arith.select %eq3A_24, %broadcast_in_dim3A_26, %broadcast_in_dim3A_27 : vector<16xi1>, vector<16xi32>
    %jit3A_29 = arith.constant 63 : i32
    %broadcast_in_dim3A_30 = vector.broadcast %jit3A_29 : i32 to vector<16xi32>
    %select_n3A_31 = arith.select %eq3A_21, %broadcast_in_dim3A_30, %select_n3A_28 : vector<16xi1>, vector<16xi32>
    %max3A = arith.constant 0 : i32
    %max3A_32 = vector.broadcast %max3A : i32 to vector<16xi32>
    %max3A_33 = arith.maxsi %select_n3A, %max3A_32 : vector<16xi32>
    %min3A = arith.minsi %max3A_33, %select_n3A_31 : vector<16xi32>
    %slice3A = vector.extract_strided_slice %min3A {offsets = [0], sizes = [1], strides = [1]} : vector<16xi32> to vector<1xi32>
    %squeeze3A = vector.extract %slice3A[0] : i32 from vector<1xi32>
    %slice3A_34 = vector.extract_strided_slice %min3A {offsets = [1], sizes = [1], strides = [1]} : vector<16xi32> to vector<1xi32>
    %squeeze3A_35 = vector.extract %slice3A_34[0] : i32 from vector<1xi32>
    %slice3A_36 = vector.extract_strided_slice %min3A {offsets = [2], sizes = [1], strides = [1]} : vector<16xi32> to vector<1xi32>
    %squeeze3A_37 = vector.extract %slice3A_36[0] : i32 from vector<1xi32>
    %and3A_38 = arith.constant 7 : i32
    %and3A_39 = arith.andi %squeeze3A_35, %and3A_38 : i32
    %and3A_40 = arith.constant 127 : i32
    %and3A_41 = arith.andi %squeeze3A_37, %and3A_40 : i32
    %sub3A_42 = arith.subi %squeeze3A_35, %and3A_39 : i32
    %multiple_of3A = tpu.assume_multiple %sub3A_42, 8 : i32
    %sub3A_43 = arith.subi %squeeze3A_37, %and3A_41 : i32
    %multiple_of3A_44 = tpu.assume_multiple %sub3A_43, 128 : i32
    "tpu.region"() ({
      %run_scoped3A = tpu.sem_alloc : memref<!tpu.dma_semaphore, #tpu.memory_space<semaphore_mem>>
      %dma_start3A = tpu.memref_slice %arg3[%squeeze3A, %multiple_of3A, %multiple_of3A_44] : memref<64x1024x1024xf32, #tpu.memory_space<hbm>> -> memref<1x8x128xf32, #tpu.memory_space<hbm>>
      %dma_start3A_59 = tpu.memref_squeeze %dma_start3A : memref<1x8x128xf32, #tpu.memory_space<hbm>> -> memref<8x128xf32, #tpu.memory_space<hbm>>
      %dma_start3A_60 = tpu.memref_slice %arg3[%squeeze3A, %multiple_of3A, %multiple_of3A_44] : memref<64x1024x1024xf32, #tpu.memory_space<hbm>> -> memref<1x8x128xf32, #tpu.memory_space<hbm>>
      %dma_start3A_61 = tpu.memref_squeeze %dma_start3A_60 : memref<1x8x128xf32, #tpu.memory_space<hbm>> -> memref<8x128xf32, #tpu.memory_space<hbm>>
      tpu.enqueue_dma source(%dma_start3A_61 : memref<8x128xf32, #tpu.memory_space<hbm>>) target(%arg6 : memref<8x128xf32, #tpu.memory_space<vmem>>) target_semaphore(%run_scoped3A : memref<!tpu.dma_semaphore, #tpu.memory_space<semaphore_mem>>)
      %dma_wait3A = tpu.memref_slice %arg3[%squeeze3A, %multiple_of3A, %multiple_of3A_44] : memref<64x1024x1024xf32, #tpu.memory_space<hbm>> -> memref<1x8x128xf32, #tpu.memory_space<hbm>>
      %dma_wait3A_62 = tpu.memref_squeeze %dma_wait3A : memref<1x8x128xf32, #tpu.memory_space<hbm>> -> memref<8x128xf32, #tpu.memory_space<hbm>>
      %dma_wait3A_63 = tpu.memref_slice %arg3[%squeeze3A, %multiple_of3A, %multiple_of3A_44] : memref<64x1024x1024xf32, #tpu.memory_space<hbm>> -> memref<1x8x128xf32, #tpu.memory_space<hbm>>
      %dma_wait3A_64 = tpu.memref_squeeze %dma_wait3A_63 : memref<1x8x128xf32, #tpu.memory_space<hbm>> -> memref<8x128xf32, #tpu.memory_space<hbm>>
      tpu.wait_dma2 semaphore(%run_scoped3A : memref<!tpu.dma_semaphore, #tpu.memory_space<semaphore_mem>>) src(%dma_wait3A_64 : memref<8x128xf32, #tpu.memory_space<hbm>>) dst(%arg6 : memref<8x128xf32, #tpu.memory_space<vmem>>)
      tpu.yield
    }) : () -> ()
    %and3A_45 = arith.constant 112 : i32
    %and3A_46 = arith.andi %and3A_41, %and3A_45 : i32
    %sub3A_47 = arith.subi %and3A_41, %and3A_46 : i32
    %get3A_48 = arith.index_cast %and3A_39 : i32 to index
    %get3A_49 = arith.index_cast %and3A_46 : i32 to index
    %get3A_50 = tpu.vector_load %arg6[%get3A_48, %get3A_49] {strides = array<i32>} : memref<8x128xf32, #tpu.memory_space<vmem>>, vector<1x16xf32>,
    %get3A_51 = vector.shape_cast %get3A_50 : vector<1x16xf32> to vector<16xf32>
    %broadcast_in_dim3A_52 = vector.broadcast %sub3A_47 : i32 to vector<16xi32>
    %broadcast_in_dim3A_53 = vector.shape_cast %broadcast_in_dim3A_52 : vector<16xi32> to vector<16x1xi32>
    %gather3A_54 = vector.shape_cast %broadcast_in_dim3A_53 : vector<16x1xi32> to vector<16xi32>
    %gather3A_55 = tpu.dynamic_gather %get3A_51[%gather3A_54] in [0] : vector<16xf32>, vector<16xi32> -> vector<16xf32>
    %swap3A = arith.constant 0 : index
    %swap3A_56 = tpu.vector_load %arg7[%swap3A] {strides = array<i32>} : memref<16xf32, #tpu.memory_space<vmem>>, vector<16xf32>,
    %swap3A_57 = vector.shape_cast %swap3A_56 : vector<16xf32> to vector<16xf32>
    %swap3A_58 = vector.shape_cast %gather3A_55 : vector<16xf32> to vector<16xf32>
    tpu.vector_store %arg7[%swap3A], %swap3A_58 {strides = array<i32>} : memref<16xf32, #tpu.memory_space<vmem>>, vector<16xf32>,
    "tpu.region"() ({
      %run_scoped3A = tpu.sem_alloc : memref<!tpu.dma_semaphore, #tpu.memory_space<semaphore_mem>>
      tpu.enqueue_dma source(%arg7 : memref<16xf32, #tpu.memory_space<vmem>>) target(%arg4 : memref<16xf32, #tpu.memory_space<hbm>>) target_semaphore(%run_scoped3A : memref<!tpu.dma_semaphore, #tpu.memory_space<semaphore_mem>>)
      tpu.wait_dma2 semaphore(%run_scoped3A : memref<!tpu.dma_semaphore, #tpu.memory_space<semaphore_mem>>) src(%arg7 : memref<16xf32, #tpu.memory_space<vmem>>) dst(%arg4 : memref<16xf32, #tpu.memory_space<hbm>>)
      tpu.yield
    }) : () -> ()
    return
  }
}

</mosaic_0001>

<sc_bundles>
// kernel: kernel.3.cloned.1.call-start
scs
__scs_entry_jumppad:
0x0: {  	(pc) =	sbr.rel $0x88, $3  }
0x1: {  	(tag) =	ssettag $0x0;
	lr =	simm.s32 $0x1  }
0x2: {  	[smem:$0x3F9D] =	sst lr;
	_ =	strace $0xD0000000  }
0x3: {  	_ = 	snop  }
0x4: {  	_ = 	snop  }
0x5: {  	_ = 	snop  }
0x6: {  	_ = 	snop  }
0x7: {  	_ = 	snop  }
__scs_overlays_trampoline_lowered:
0x8: {  	[smem:$0x3FAC] =	sst s0  }
0x9: {  	[smem:$0x3FAD] =	sst s1  }
0xa: {  	[smem:$0x3FAE] =	sst s2  }
0xb: {  	[smem:$0x3FAF] =	sst s3  }
0xc: {  	[smem:$0x3FB0] =	sst s4  }
0xd: {  	[smem:$0x3FB1] =	sst s5  }
0xe: {  	[smem:$0x3FB2] =	sst s6  }
0xf: {  	[smem:$0x3FB3] =	sst s7  }
0x10: {  	[smem:$0x3FB4] =	sst s8  }
0x11: {  	[smem:$0x3FB5] =	sst s9;
	s0 =	simm.s32 @!p0 $0x0  }
0x12: {  	s1 =	sld [smem:$0x3F9B];
	s0 =	simm.s32 @p0 $0x1  }
0x13: {  	[smem:$0x3FB6] =	sst s0;
	s0 =	simm.s32 @!p1 $0x0  }
0x14: {  	s2 =	sld [smem:$0x3F9A];
	s0 =	simm.s32 @p1 $0x1  }
0x15: {  	[smem:$0x3FB7] =	sst s0;
	s0 =	simm.s32 @!p2 $0x0  }
0x16: {  	s3 =	sld [smem:$0x3FDB];
	s0 =	simm.s32 @p2 $0x1  }
0x17: {  	s4 =	simm.s32 $0x1BF5;
	[smem:$0x3FB9] =	sst s0  }
0x18: {  	s0 =	sld [smem:$0x3F9C];
	_ =	swait.ge [sflag:s4], $0x0  }
0x19: {  	s7 =	sld [smem:$0x3F9D]  }
0x1a: {  	s8 =	sadd.s32 $0xFFFFE003, lr  }
0x1b: {  	s9 =	sadd.s32 $0xFFFFFEF7, lr;
	s5 =	simm.s32 $0xFFFFFFFF;
	p2 =	slt.u32 s8, $0xFFFFF086  }
0x1c: {  	p1 =	slt.u32 s9, $0xF7A;
	s5 =	simm.s32 @!p2 $0x0  }
0x1d: {  	s5 =	simm.s32 @p1 $0x1;
	p0 =	seq.s32 s7, s2  }
0x1e: {  	s7 =	smul.u32 @!p0 $0xF7A, s2;
	p2 =	seq.s32 @!p0 s5, $0x0  }
0x1f: {  	s9 =	smul.u32 $0xF7A, s1;
	s8 =	simm.s32 @!p0 $0x1BF5;
	p2 =	por !p2, p0  }
0x20: {  	[sflag:s8] =	ssyncset.s32 @!p0 $0xFFFFF086;
	s6 =	sadd.s32 @!p0 s3, s7;
	s7 =	simm.s32 @!p0 $0x108  }
0x21: {  	s3 =	sadd.s32 s3, s9;
	s6 =	sadd.s32 @!p0 $0x88, s6;
	s7 =	simm.s32 @p2 $0x1082  }
0x22: {  	[simem:s7], [sflag:s8] =	dma.local @!p0 [hbm:s6], $0xF7A  }
0x23: {  	s9 =	sor.u32 $0xD0000000, s2;
	s6 =	simm.s32 $0x108;
	_ =	swait.ge @!p0 [sflag:s8], $0x0  }
0x24: {  	s3 =	sadd.s32 $0x88, s3;
	s6 =	simm.s32 @!p1 $0x1082;
	[sflag:s4] =	ssyncset.s32 $0xFFFFF086  }
0x25: {  	[simem:s6], [sflag:s4] =	dma.local [hbm:s3], $0xF7A  }
0x26: {  	[smem:$0x3F9D] =	sst s1;
	(tag) =	ssettag s2;
	_ =	strace s9  }
0x27: {  	s1 =	sld [smem:$0x3FAD]  }
0x28: {  	s2 =	sld [smem:$0x3FAE]  }
0x29: {  	s4 =	sld [smem:$0x3FB0]  }
0x2a: {  	p0 =	seq.s32 s5, $0x0;
	s5 =	sld [smem:$0x3FB1]  }
0x2b: {  	s6 =	sld [smem:$0x3FB2]  }
0x2c: {  	s7 =	sld [smem:$0x3FB3]  }
0x2d: {  	s3 =	simm.s32 $0x108;
	s8 =	sld [smem:$0x3FB4]  }
0x2e: {  	s3 =	simm.s32 @!p0 $0x1082;
	s9 =	sld [smem:$0x3FB5]  }
0x2f: {  	lr =	sadd.s32 s0, s3;
	s0 =	sld [smem:$0x3FAC]  }
0x30: {  	s3 =	sld [smem:$0x3FAF]  }
0x31: {  	[smem:$0x3FB8] =	sst s10  }
0x32: {  	s10 =	sld [smem:$0x3FB6];
	_ =	sdelay $0x3  }
0x33: {  	p0 =	seq.s32 s10, $0x1;
	s10 =	sld [smem:$0x3FB8];
	_ =	sdelay $0x3  }
0x34: {  	[smem:$0x3FB8] =	sst s10  }
0x35: {  	s10 =	sld [smem:$0x3FB7];
	_ =	sdelay $0x3  }
0x36: {  	p1 =	seq.s32 s10, $0x1;
	s10 =	sld [smem:$0x3FB8];
	_ =	sdelay $0x3  }
0x37: {  	[smem:$0x3FB8] =	sst s10  }
0x38: {  	s10 =	sld [smem:$0x3FB9]  }
0x39: {  	_ = 	snop;
	(pc) =	sbr.ind lr, $3  }
0x3a: {  	_ = 	snop  }
0x3b: {  	_ = 	snop  }
0x3c: {  	p2 =	seq.s32 s10, $0x1;
	s10 =	sld [smem:$0x3FB8]  }
0x3d: {  	_ =	shalt  }
0x3e: {  	_ =	shalt  }
0x3f: {  	_ =	shalt  }
0x40: {  	_ =	shalt  }
0x41: {  	_ =	shalt  }
0x42: {  	_ =	shalt  }
0x43: {  	_ =	shalt  }
0x44: {  	_ =	shalt  }
0x45: {  	_ =	shalt  }
0x46: {  	_ =	shalt  }
0x47: {  	_ =	shalt  }
0x48: {  	_ =	shalt  }
0x49: {  	_ =	shalt  }
0x4a: {  	_ =	shalt  }
0x4b: {  	_ =	shalt  }
0x4c: {  	_ =	shalt  }
0x4d: {  	_ =	shalt  }
0x4e: {  	_ =	shalt  }
0x4f: {  	_ =	shalt  }
0x50: {  	_ =	shalt  }
0x51: {  	_ =	shalt  }
0x52: {  	_ =	shalt  }
0x53: {  	_ =	shalt  }
0x54: {  	_ =	shalt  }
0x55: {  	_ =	shalt  }
0x56: {  	_ =	shalt  }
0x57: {  	_ =	shalt  }
0x58: {  	_ =	shalt  }
0x59: {  	_ =	shalt  }
0x5a: {  	_ =	shalt  }
0x5b: {  	_ =	shalt  }
0x5c: {  	_ =	shalt  }
0x5d: {  	_ =	shalt  }
0x5e: {  	_ =	shalt  }
0x5f: {  	_ =	shalt  }
0x60: {  	_ =	shalt  }
0x61: {  	_ =	shalt  }
0x62: {  	_ =	shalt  }
0x63: {  	_ =	shalt  }
0x64: {  	_ =	shalt  }
0x65: {  	_ =	shalt  }
0x66: {  	_ =	shalt  }
0x67: {  	_ =	shalt  }
0x68: {  	_ =	shalt  }
0x69: {  	_ =	shalt  }
0x6a: {  	_ =	shalt  }
0x6b: {  	_ =	shalt  }
0x6c: {  	_ =	shalt  }
0x6d: {  	_ =	shalt  }
0x6e: {  	_ =	shalt  }
0x6f: {  	_ =	shalt  }
0x70: {  	_ =	shalt  }
0x71: {  	_ =	shalt  }
0x72: {  	_ =	shalt  }
0x73: {  	_ =	shalt  }
0x74: {  	_ =	shalt  }
0x75: {  	_ =	shalt  }
0x76: {  	_ =	shalt  }
0x77: {  	_ =	shalt  }
0x78: {  	_ =	shalt  }
0x79: {  	_ =	shalt  }
0x7a: {  	_ =	shalt  }
0x7b: {  	_ =	shalt  }
0x7c: {  	_ =	shalt  }
0x7d: {  	_ =	shalt  }
0x7e: {  	_ =	shalt  }
0x7f: {  	_ =	shalt  }
0x80: {  	_ =	shalt  }
0x81: {  	_ =	shalt  }
0x82: {  	_ =	shalt  }
0x83: {  	_ =	shalt  }
0x84: {  	_ =	shalt  }
0x85: {  	_ =	shalt  }
0x86: {  	_ =	shalt  }
0x87: {  	_ =	shalt  }
.Lfunc_end0:
.L_simem_size_0:
called_computation_lowered:
.L_overlay_start_0:
0x88: {  	s0 =	sld [smem:$0x3FD9]  }
0x89: {  	s1 =	sld [smem:$0x3FFE];
	_ =	sdelay $0x3  }
0x8a: {  	s0 =	sadd.s32 s1, s0  }
0x8b: {  	[smem:$0x3FC4] =	sst s0  }
0x8c: {  	_ = 	snop  }
0x8d: {  	s0 =	sld [smem:$0x3FC8]  }
0x8e: {  	s16 =	sld [smem:$0x3FD0];
	(tm) =	ssettm $0x1  }
0x8f: {  	s2 =	sld [smem:$0x3FFB];
	_ =	sdelay $0x3  }
0x90: {  	_ =	strace s2  }
0x91: {  	s2 =	sld [smem:$0x3FFC];
	_ =	sdelay $0x3  }
0x92: {  	_ =	strace s2  }
0x93: {  	s2 =	sld [smem:$0x3FFD];
	_ =	sdelay $0x3  }
0x94: {  	_ =	strace s2  }
0x95: {  	_ =	strace $0x8FFFFFFF  }
0x96: {  	s17 =	sld [smem:$0x3FDB];
	_ =	sdelay $0x1  }
0x97: {  	s3 =	simm.s32 $_scs_section_size  }
0x98: {  	s4 =	simm.s32 $_size__tile_overlayer_lowered;
	s5 =	simm.s32 $_tile_overlayer_lowered  }
0x99: {  	s20 =	simm.s32 $0x1BFF;
	s19 =	sshll.u32 s5, $0x1;
	s2 =	sadd.s32 s3, s17  }
0x9a: {  	s6 =	simm.s32 $0x0;
	s18 =	sshll.u32 s4, $0x1;
	s4 =	sadd.s32 s19, s2  }
0x9b: {  	[timem:s6], [sflag:s20] =	dma.local [hbm:s4], s18  }
0x9c: {  	_ =	swait.ge [sflag:s20], s18  }
0x9d: {  	s3 =	ssub.s32 $0x0, s18;
	[sflag:s20] =	ssyncset.done $0x0  }
0x9e: {  	[sflag:s20] =	ssyncadd.s32 s3;
	_ =	sdelay $0x1  }
0x9f: {  	s21 =	simm.s32 $0x1B8B  }
0xa0: {  	_ =	swait.ge [sflag:s21], $0x1  }
0xa1: {  	[sflag:s21] =	ssyncset.done $0x0  }
0xa2: {  	s23 =	simm.s32 $0x1B8E;
	s22 =	sld [smem:$0x3FFE];
	[sflag:s21] =	ssyncadd.s32 $0xFFFFFFFF  }
0xa3: {  	s24 =	simm.s32 $execute0_lowered;
	[smem:$0x3FD2] =	sst s23  }
0xa4: {  	s4 =	sshll.u32 s24, $0x1;
	_ =	strace $0x80000046;
	[dreg:$0x1] =	wrdreg $0xFFFFFFFF  }
0xa5: {  	s25 =	simm.s32 $_size_execute0_lowered;
	s2 =	sadd.s32 s2, s4;
	[dreg:$0x0] =	wrdreg $0x0  }
0xa6: {  	s4 =	sshll.u32 s25, $0x1;
	[dreg:$0x2] =	wrdreg s2  }
0xa7: {  	[dreg:$0x3] =	wrdreg s4  }
0xa8: {  	[dreg:$0x4] =	wrdreg $0xC0  }
0xa9: {  	_ =	task [dreg:s6], $0x5FFFF  }
0xaa: {  	[dreg:$0x1] =	wrdreg $0xFFFFFFFF  }
0xab: {  	[dreg:$0x0] =	wrdreg $0x60  }
0xac: {  	[dreg:$0x2] =	wrdreg s22  }
0xad: {  	[dreg:$0x3] =	wrdreg s0  }
0xae: {  	[dreg:$0x4] =	wrdreg s16  }
0xaf: {  	[dreg:$0x5] =	wrdreg $0x9  }
0xb0: {  	_ =	task.clear_ibuf [dreg:s6], $0x6FFFF;
	_ =	strace $0x90000046  }
0xb1: {  	s26 =	simm.s32 $0x9;
	_ =	strace $0x80000048  }
0xb2: {  	_ =	swait.ge [sflag:s26], $0x1  }
0xb3: {  	[sflag:s26] =	ssyncadd.s32 $0xFFFFFFFF  }
0xb4: {  	_ =	strace $0x90000048  }
0xb5: {  	_ =	sfence  }
0xb6: {  	s28 =	sld [smem:$0x0];
	_ =	sdelay $0x1  }
0xb7: {  	s29 =	srdreg.scid  }
0xb8: {  	s30 =	sshll.u32 s29, $0xD;
	s31 =	sshrl.u32 s29, $0x2  }
0xb9: {  	s1 =	sand.u32 $0x1, s29;
	s2 =	sand.u32 $0x4000, s30;
	s0 =	sadd.s32 s31, s28  }
0xba: {  	s1 =	sor.u32 s2, s1;
	s0 =	sshll.u32 s0, $0x11  }
0xbb: {  	s0 =	sor.u32 s0, s1  }
0xbc: {  	s0 =	sadd.s32 $0x8F2B, s0  }
0xbd: {  	[sflag:s0] =	ssyncadd.remote.s32 $0x1  }
0xbe: {  	_ =	sfence.sel $0xFFFF  }
0xbf: {  	[dreg:$0x0] =	wrdreg $0xFFFFFFFF;
	(pc) =	sbr.abs _section_cstart, $3  }
0xc0: {  	[dreg:$0x1] =	wrdreg $0xFFFFFFFF  }
0xc1: {  	_ =	task.clear_ibuf [dreg:s6], $0x2FFFF;
	_ =	strace $0x9FFFFFFF  }
0xc2: {  	(tm) =	ssettm $0x7FFFFFFF  }
0xc3: {  	_ =	shalt  }
tec
execute0_lowered:
.L_overlay_start_1:
0x0: {  	(tag) =	ssettag $0x1  }
0x1: {  	s5 =	stileid.u32  }
0x2: {  	p0 =	sne.s32 s5, $0x0  }
.Ltmp0:
0x3: {  	s3 =	rddreg [dreg:$0x0];
	(pc) =	sbr.rel @p0 .LBB2_2-.Ltmp0, $4  }
0x4: {  	s4 =	rddreg [dreg:$0x1]  }
0x5: {  	s1 =	rddreg [dreg:$0x2];
	s2 =	simm.s32 $0x0  }
0x6: {  	[smem:$0x7FF] =	sst s2  }
0x7: {  	s0 =	rddreg [dreg:$0x3];
	_ =	strace $0x80000047  }
0x8: {  	s3 =	sadd.s32 $0x400, s3;
	s25 =	simm.s32 $0x1  }
0x9: {  	[tilespmem:s2], [sflag:$0x1] =	stream.linear.gather [hbm4b:s3+s2], $0x9, $0x38;
	[tilespmem:$0x500] =	vst v63  }
0xa: {  	_ =	swait.ge [sflag:s25], $0x9  }
0xb: {  	v0 =	vimm.s32 $0x543210FE;
	v1 =	vimm.s32 $0xDCBA9876;
	[sflag:s25] =	ssyncset.done $0x0  }
0xc: {  	v0 =	vunpack.c.l.s4.s8 v0;
	v1 =	vunpack.c.l.s4.s8 v1;
	[sflag:s25] =	ssyncadd.s32 $0xFFFFFFF7  }
0xd: {  	v2 =	vld [tilespmem:$0x0]  }
0xe: {  	v0 =	vunpack.c.0.s8.s32 v0;
	v1 =	vunpack.c.0.s8.s32 v1;
	_ =	sdelay $0x1  }
0xf: {  	v0 =	vcombine.low v1, v0;
	_ =	sdelay $0x1  }
0x10: {  	v0 =	vperm.xlane v2, v0  }
0x11: {  	v56 =	vimm.s32 $0x210FEDCB;
	v3 =	vimm.s32 $0xA9876543  }
0x12: {  	v3 =	vunpack.c.l.s4.s8 v3;
	v1 =	vunpack.c.l.s4.s8 v56;
	(erf) = vrcp.f32 v0;
	_ =	sdelay $0x1  }
0x13: {  	v58 =	vunpack.c.0.s8.s32 v3;
	v57 =	vunpack.c.0.s8.s32 v1;
	_ =	sdelay $0x1  }
0x14: {  	v0 =	vcombine.low v58, v57;
	_ =	sdelay $0x1  }
0x15: {  	v0 =	vperm.xlane v2, v0;
	_ =	sdelay $0x1  }
0x16: {  	v0 =	vsub.f32 v2, v0  }
0x17: {  	v59 =	vpop (erf)  }
0x18: {  	v0 =	vmul.f32 v59, v0;
	_ =	sdelay $0x1  }
0x19: {  	v1 =	vtrunc.f32 v0  }
0x1a: {  	v61 =	vimm.s32 $0x0;
	v60 =	vcvt.f32.s32 v1;
	vm0 =	vlt.f32 v0, v1  }
0x1b: {  	v0 =	vsel vm0, $0xFFFFFFFF, v61  }
0x1c: {  	v0 =	vadd.s32 v60, v0  }
0x1d: {  	v62 =	vimm.s32 $0x3FF;
	vm1 =	vcmask $0x300;
	vm15 =	vgt.s32 v0, $0x0  }
0x1e: {  	v1 =	vsel vm1, $0x3F, v62;
	v0 =	vnsel vm15, $0x0, v0  }
0x1f: {  	v0 =	vmin.u32 v0, v1  }
0x20: {  	(v2sf) =	vpush v0, $0x0  }
0x21: {  	(v2sf) =	vpush v0, $0x1  }
0x22: {  	(v2sf) =	vpush v0, $0x2;
	_ =	sdelay $0xc  }
0x23: {  	s5 =	spop (v2sf)  }
0x24: {  	s6 =	spop (v2sf)  }
0x25: {  	s5 =	sshll.u32 s5, $0x11;
	s7 =	spop (v2sf)  }
0x26: {  	s6 =	sshll.u32 s6, $0x7;
	s4 =	sadd.s32 s4, s5;
	s8 =	sand.u32 $0x380, s7  }
0x27: {  	s26 =	sand.u32 $0x1FC00, s6;
	s4 =	sadd.s32 s8, s4  }
0x28: {  	s28 =	simm.s32 $0x80;
	s4 =	sadd.s32 s26, s4  }
0x29: {  	[tilespmem:s28], [sflag:$0x1] =	stream.linear.gather [hbm4b:s4+s2], $0x400, $0x38;
	[tilespmem:$0x500] =	vst v63  }
0x2a: {  	_ =	swait.ge [sflag:s25], $0x400  }
0x2b: {  	s29 =	sand.u32 $0x70, s7;
	s30 =	sand.u32 $0x380, s6;
	[sflag:s25] =	ssyncset.done $0x0  }
0x2c: {  	s4 =	sor.u32 s29, s30;
	[sflag:s25] =	ssyncadd.s32 $0xFFFFFC00  }
0x2d: {  	v63 =	vld [tilespmem:s4+$0x80];
	_ =	sdelay $0x2  }
0x2e: {  	v0 =	vbroadcast v0, $0x2;
	_ =	sdelay $0x1  }
0x2f: {  	v0 =	vperm.xlane v63, v0;
	_ =	sdelay $0x1  }
0x30: {  	s31 =	simm.s32 $0x480;
	[tilespmem:$0x480] =	vst v0  }
0x31: {  	[hbm4b:s1+s2] =	stream.linear.scatter [tilespmem:s31], [sflag:$0x1], $0x80, $0x38;
	[tilespmem:$0x500] =	vst v63  }
0x32: {  	_ =	swait.ge [sflag:s25], $0x80  }
0x33: {  	[sflag:s25] =	ssyncset.done $0x0  }
0x34: {  	[sflag:s25] =	ssyncadd.s32 $0xFFFFFF80  }
.LBB2_2:
0x35: {  	_ =	sfence.sel $0x180000  }
0x36: {  	[bflag:$0x0] =	sbarrier.arrive $0xFFFF  }
0x37: {  	_ =	strace $0x90000047  }
0x38: {  	s0 =	sadd.s32 @!p0 $0x100000, s0;
	[bflag:$0x2] =	sbarrier.arrive $0xFFFF  }
0x39: {  	[sflag:s0] =	ssyncadd.tile.s32 @!p0 $0x1;
	_ =	shalt  }
.Lfunc_end2:
_tile_overlayer_lowered:
.L_overlay_start_2:
0x3a: {  	(tag) =	ssettag $0x2  }
0x3b: {  	s0 =	rddreg [dreg:$0x0];
	s2 =	stileid.u32  }
0x3c: {  	s1 =	rddreg [dreg:$0x1];
	p0 =	sne.s32 s2, $0x0  }
0x3d: {  	s3 =	rddreg [dreg:$0x2];
	[bflag:$0x3] =	sbarrier.arrive $0xFFFF;
	s2 =	simm.s32 @!p0 $0x1C01  }
0x3e: {  	[timem:s3], [sflag:s2] =	dma.local @!p0 [hbm:s0], s1  }
0x3f: {  	s0 =	simm.s32 @!p0 $0x1  }
0x40: {  	_ =	swait.ge @!p0 [sflag:s0], s1  }
0x41: {  	s1 =	ssub.s32 @!p0 $0x0, s1;
	[sflag:s0] =	ssyncset.done @!p0 $0x0  }
0x42: {  	[sflag:s0] =	ssyncadd.s32 @!p0 s1  }
0x43: {  	[bflag:$0x3] =	sbarrier.arrive $0xFFFF  }
0x44: {  	_ =	shalt  }

</sc_bundles>
